<compile_context>
chip_gen: v7x
topology: tpu7x:2x2x1
jax: 0.10.2.dev20260603
libtpu: 0.0.44.dev20260713+nightly
codegen_flags: <defaults>
</compile_context>

<pallas_src>
import functools

import jax
import jax.numpy as jnp
from jax import lax
from jax.experimental import pallas as pl
from jax.experimental.pallas import tpu as pltpu
from jax.experimental.pallas import tpu_sc as plsc

_VOCAB = 1_000_000
_EMBED = 32
_BATCH = 16384
_FIELDS = 26

_info = plsc.get_sparse_core_info()
_NC = _info.num_cores
_NS = _info.num_subcores
_NW = _NC * _NS
_BPW = _BATCH // _NW
_L = 16

_mesh = plsc.VectorSubcoreMesh(core_axis_name="c", subcore_axis_name="s")


@functools.partial(
    pl.kernel,
    mesh=_mesh,
    out_type=jax.ShapeDtypeStruct((_FIELDS, _EMBED, _BATCH), jnp.float32),
    scratch_types=[
        pltpu.VMEM((_FIELDS, _BPW), jnp.int32),
        pltpu.VMEM((_BPW, _EMBED), jnp.float32),
        pltpu.VMEM((_BPW, _EMBED), jnp.float32),
        pltpu.VMEM((_EMBED, _BPW + 1), jnp.float32),
        pltpu.VMEM((_EMBED, _BPW + 1), jnp.float32),
        pltpu.SemaphoreType.DMA,
        pltpu.SemaphoreType.DMA,
        pltpu.SemaphoreType.DMA,
        pltpu.SemaphoreType.DMA,
    ],
    compiler_params=pltpu.CompilerParams(
        use_tc_tiling_on_sc=False, needs_layout_passes=False),
)
def _gather_all(table_hbm, idx_hbm, out_hbm, idx_v, r0, r1, t0buf, t1buf,
                gsem0, gsem1, wsem0, wsem1):
    wid = lax.axis_index("s") * _NC + lax.axis_index("c")
    b0 = wid * _BPW
    rbufs = (r0, r1)
    tbufs = (t0buf, t1buf)
    gsems = (gsem0, gsem1)
    wsems = (wsem0, wsem1)

    pltpu.sync_copy(idx_hbm.at[:, pl.ds(b0, _BPW)], idx_v)

    def gdesc(f, p):
        return pltpu.make_async_copy(
            table_hbm.at[idx_v.at[f]], rbufs[p], gsems[p])

    def wdesc(f, p):
        return pltpu.make_async_copy(
            tbufs[p].at[:, pl.ds(0, _BPW)],
            out_hbm.at[f, :, pl.ds(b0, _BPW)], wsems[p])

    iota = lax.iota(jnp.int32, _L)
    rows0 = iota
    rows1 = iota + _L

    def transpose_chunk(r, t):
        @plsc.parallel_loop(0, _BPW, unroll=4)
        def _(i):
            ci = jnp.full((_L,), i, jnp.int32)
            v0 = r[i, pl.ds(0, _L)]
            v1 = r[i, pl.ds(_L, _L)]
            plsc.store_scatter(t, [rows0, ci], v0)
            plsc.store_scatter(t, [rows1, ci], v1)

    def step(f, p):
        fn = jnp.minimum(f + 1, _FIELDS - 1)

        @pl.when(f + 1 < _FIELDS)
        def _():
            gdesc(fn, 1 - p).start()

        gdesc(f, p).wait()

        @pl.when(f >= 2)
        def _():
            wdesc(f - 2, p).wait()

        transpose_chunk(rbufs[p], tbufs[p])
        wdesc(f, p).start()

    gdesc(0, 0).start()

    def body(k, carry):
        step(2 * k, 0)
        step(2 * k + 1, 1)
        return carry

    lax.fori_loop(0, _FIELDS // 2, body, 0)
    wdesc(_FIELDS - 2, 0).wait()
    wdesc(_FIELDS - 1, 1).wait()


def kernel(tokenIndex, weights):
    idx_t = tokenIndex.T.astype(jnp.int32)
    out_t = _gather_all(weights, idx_t)
    return out_t.transpose(2, 0, 1)

# --- scband reference (transcript-rebuilt; emitter-appended) ---
"""Pipeline reference for scband-embedlayer-43396349558907 (READ-ONLY COPY).

The authoritative reference and input builder live on the scoring server;
editing this copy changes nothing except your own understanding.
"""

import jax, jax.numpy as jnp
import numpy as np

VOCAB = 1000000
EMBED_DIM = 32
BATCH = 16384
FIELDS = 26

def setup_inputs(seed: int = 0) -> dict:
    key = jax.random.key(seed)
    k1, k2 = jax.random.split(key)
    tokenIndex = jax.random.randint(k1, (BATCH, FIELDS), 0, VOCAB, dtype=jnp.int64 if jax.config.jax_enable_x64 else jnp.int32)
    weights = jax.random.normal(k2, (VOCAB, EMBED_DIM), dtype=jnp.float32) * 0.01
    return {"tokenIndex": tokenIndex, "weights": weights}

def reference(tokenIndex, weights):
    # embedding lookup: weights[tokenIndex]
    embedVector = jnp.take(weights, tokenIndex, axis=0)
    return embedVector

if __name__ == "__main__":
    import jax
    _d = setup_inputs()
    print(jax.jit(kernel)(*tuple(_d.values())))

</pallas_src>

<mosaic_0001>
#map = affine_map<(d0, d1) -> (0, 0)>
#map1 = affine_map<(d0, d1) -> (0, 0, 0)>
module attributes {stable_mosaic.version = 14 : i64} {
  func.func @_gather_all(%arg0: i32, %arg1: i32, %arg2: memref<1000000x32xf32, #tpu.memory_space<hbm>>, %arg3: memref<26x16384xi32, #tpu.memory_space<hbm>>, %arg4: memref<26x32x16384xf32, #tpu.memory_space<hbm>>, %arg5: memref<26x512xi32, #tpu.memory_space<vmem>>, %arg6: memref<512x32xf32, #tpu.memory_space<vmem>>, %arg7: memref<512x32xf32, #tpu.memory_space<vmem>>, %arg8: memref<32x513xf32, #tpu.memory_space<vmem>>, %arg9: memref<32x513xf32, #tpu.memory_space<vmem>>, %arg10: memref<!tpu.dma_semaphore, #tpu.memory_space<semaphore_mem>>, %arg11: memref<!tpu.dma_semaphore, #tpu.memory_space<semaphore_mem>>, %arg12: memref<!tpu.dma_semaphore, #tpu.memory_space<semaphore_mem>>, %arg13: memref<!tpu.dma_semaphore, #tpu.memory_space<semaphore_mem>>) attributes {dimension_semantics = [#tpu.dimension_semantics<core_parallel>, #tpu.dimension_semantics<subcore_parallel>], iteration_bounds = array<i64: 2, 16>, scalar_prefetch = 0 : i64, scratch_operands = 9 : i64, tpu.core_type = #tpu.core_type<sc_vector_subcore>, window_params = [{transform_indices = #map}, {transform_indices = #map}, {transform_indices = #map1}]} {
    %mul3A = arith.constant 2 : i32
    %mul3A_0 = arith.muli %arg1, %mul3A : i32
    %add3A = arith.addi %mul3A_0, %arg0 : i32
    %mul3A_1 = arith.constant 512 : i32
    %mul3A_2 = arith.muli %add3A, %mul3A_1 : i32
    "tpu.region"() ({
      %run_scoped3A = tpu.sem_alloc : memref<!tpu.dma_semaphore, #tpu.memory_space<semaphore_mem>>
      %dma_start3A_42 = arith.constant 0 : i32
      %dma_start3A_43 = tpu.memref_slice %arg3[%dma_start3A_42, %mul3A_2] : memref<26x16384xi32, #tpu.memory_space<hbm>> -> memref<26x512xi32, #tpu.memory_space<hbm>>
      %dma_start3A_44 = arith.constant 0 : i32
      %dma_start3A_45 = tpu.memref_slice %arg3[%dma_start3A_44, %mul3A_2] : memref<26x16384xi32, #tpu.memory_space<hbm>> -> memref<26x512xi32, #tpu.memory_space<hbm>>
      tpu.enqueue_dma source(%dma_start3A_45 : memref<26x512xi32, #tpu.memory_space<hbm>>) target(%arg5 : memref<26x512xi32, #tpu.memory_space<vmem>>) target_semaphore(%run_scoped3A : memref<!tpu.dma_semaphore, #tpu.memory_space<semaphore_mem>>)
      %dma_wait3A_46 = arith.constant 0 : i32
      %dma_wait3A_47 = tpu.memref_slice %arg3[%dma_wait3A_46, %mul3A_2] : memref<26x16384xi32, #tpu.memory_space<hbm>> -> memref<26x512xi32, #tpu.memory_space<hbm>>
      %dma_wait3A_48 = arith.constant 0 : i32
      %dma_wait3A_49 = tpu.memref_slice %arg3[%dma_wait3A_48, %mul3A_2] : memref<26x16384xi32, #tpu.memory_space<hbm>> -> memref<26x512xi32, #tpu.memory_space<hbm>>
      tpu.wait_dma2 semaphore(%run_scoped3A : memref<!tpu.dma_semaphore, #tpu.memory_space<semaphore_mem>>) src(%dma_wait3A_49 : memref<26x512xi32, #tpu.memory_space<hbm>>) dst(%arg5 : memref<26x512xi32, #tpu.memory_space<vmem>>)
      tpu.yield
    }) : () -> ()
    %iota3A = tpu.iota {dimensions = array<i32: 0>} : vector<16xi32>
    %add3A_3 = arith.constant 16 : i32
    %add3A_4 = vector.broadcast %add3A_3 : i32 to vector<16xi32>
    %add3A_5 = arith.addi %iota3A, %add3A_4 : vector<16xi32>
    %dma_start3A = arith.constant 0 : i32
    %dma_start3A_6 = arith.constant 0 : i32
    %dma_start3A_7 = tpu.memref_slice %arg5[%dma_start3A, %dma_start3A_6] : memref<26x512xi32, #tpu.memory_space<vmem>> -> memref<1x512xi32, #tpu.memory_space<vmem>>
    %dma_start3A_8 = tpu.memref_squeeze %dma_start3A_7 : memref<1x512xi32, #tpu.memory_space<vmem>> -> memref<512xi32, #tpu.memory_space<vmem>>
    %dma_start3A_9 = arith.constant 0 : i32
    %dma_start3A_10 = arith.constant 0 : i32
    %dma_start3A_11 = tpu.memref_slice %arg2[%dma_start3A_9, %dma_start3A_10] : memref<1000000x32xf32, #tpu.memory_space<hbm>> -> memref<1000000x32xf32, #tpu.memory_space<hbm>>
    tpu.enqueue_indirect_dma source(%dma_start3A_11 : memref<1000000x32xf32, #tpu.memory_space<hbm>>) target(%arg6 : memref<512x32xf32, #tpu.memory_space<vmem>>) offsets(%dma_start3A_8 : memref<512xi32, #tpu.memory_space<vmem>>) semaphore(%arg10 : memref<!tpu.dma_semaphore, #tpu.memory_space<semaphore_mem>>)
    %scan3A = arith.constant 0 : i32
    %scan3A_12 = arith.constant 0 : i32
    %scan3A_13 = arith.constant 13 : i32
    %scan3A_14 = arith.addi %scan3A_12, %scan3A_13 : i32
    %scan3A_15 = arith.constant 1 : i32
    scf.for %scan3A_42 = %scan3A_12 to %scan3A_14 step %scan3A_15  : i32 {
      %mul3A_43 = arith.constant 2 : i32
      %mul3A_44 = arith.muli %mul3A_43, %scan3A_42 : i32
      %add3A_45 = arith.constant 1 : i32
      %add3A_46 = arith.addi %mul3A_44, %add3A_45 : i32
      %min3A = arith.constant 25 : i32
      %min3A_47 = arith.minsi %add3A_46, %min3A : i32
      %add3A_48 = arith.constant 1 : i32
      %add3A_49 = arith.addi %mul3A_44, %add3A_48 : i32
      %lt3A = arith.constant 26 : i32
      %lt3A_50 = arith.cmpi slt, %add3A_49, %lt3A : i32
      %convert_element_type3A = arith.extui %lt3A_50 : i1 to i32
      %cond3A = arith.constant 0 : i32
      %cond3A_51 = arith.cmpi ne, %convert_element_type3A, %cond3A : i32
      scf.if %cond3A_51 {
        %dma_start3A_117 = arith.constant 0 : i32
        %dma_start3A_118 = tpu.memref_slice %arg5[%min3A_47, %dma_start3A_117] : memref<26x512xi32, #tpu.memory_space<vmem>> -> memref<1x512xi32, #tpu.memory_space<vmem>>
        %dma_start3A_119 = tpu.memref_squeeze %dma_start3A_118 : memref<1x512xi32, #tpu.memory_space<vmem>> -> memref<512xi32, #tpu.memory_space<vmem>>
        %dma_start3A_120 = arith.constant 0 : i32
        %dma_start3A_121 = arith.constant 0 : i32
        %dma_start3A_122 = tpu.memref_slice %arg2[%dma_start3A_120, %dma_start3A_121] : memref<1000000x32xf32, #tpu.memory_space<hbm>> -> memref<1000000x32xf32, #tpu.memory_space<hbm>>
        tpu.enqueue_indirect_dma source(%dma_start3A_122 : memref<1000000x32xf32, #tpu.memory_space<hbm>>) target(%arg7 : memref<512x32xf32, #tpu.memory_space<vmem>>) offsets(%dma_start3A_119 : memref<512xi32, #tpu.memory_space<vmem>>) semaphore(%arg11 : memref<!tpu.dma_semaphore, #tpu.memory_space<semaphore_mem>>)
      } else {
      }
      %dma_wait3A_52 = arith.constant 0 : i32
      %dma_wait3A_53 = tpu.memref_slice %arg5[%mul3A_44, %dma_wait3A_52] : memref<26x512xi32, #tpu.memory_space<vmem>> -> memref<1x512xi32, #tpu.memory_space<vmem>>
      %dma_wait3A_54 = tpu.memref_squeeze %dma_wait3A_53 : memref<1x512xi32, #tpu.memory_space<vmem>> -> memref<512xi32, #tpu.memory_space<vmem>>
      %dma_wait3A_55 = arith.constant 0 : i32
      %dma_wait3A_56 = arith.constant 0 : i32
      %dma_wait3A_57 = tpu.memref_slice %arg2[%dma_wait3A_55, %dma_wait3A_56] : memref<1000000x32xf32, #tpu.memory_space<hbm>> -> memref<1000000x32xf32, #tpu.memory_space<hbm>>
      tpu.wait_indirect_dma semaphore(%arg10 : memref<!tpu.dma_semaphore, #tpu.memory_space<semaphore_mem>>) src(%dma_wait3A_57 : memref<1000000x32xf32, #tpu.memory_space<hbm>>) dst(%arg6 : memref<512x32xf32, #tpu.memory_space<vmem>>)
      %ge3A = arith.constant 2 : i32
      %ge3A_58 = arith.cmpi sge, %mul3A_44, %ge3A : i32
      %convert_element_type3A_59 = arith.extui %ge3A_58 : i1 to i32
      %cond3A_60 = arith.constant 0 : i32
      %cond3A_61 = arith.cmpi ne, %convert_element_type3A_59, %cond3A_60 : i32
      scf.if %cond3A_61 {
        %sub3A = arith.constant 2 : i32
        %sub3A_117 = arith.subi %mul3A_44, %sub3A : i32
        %dma_wait3A_118 = arith.constant 0 : i32
        %dma_wait3A_119 = arith.constant 0 : i32
        %dma_wait3A_120 = tpu.memref_slice %arg8[%dma_wait3A_118, %dma_wait3A_119] : memref<32x513xf32, #tpu.memory_space<vmem>> -> memref<32x512xf32, #tpu.memory_space<vmem>>
        %dma_wait3A_121 = arith.constant 0 : i32
        %dma_wait3A_122 = tpu.memref_slice %arg4[%sub3A_117, %dma_wait3A_121, %mul3A_2] : memref<26x32x16384xf32, #tpu.memory_space<hbm>> -> memref<1x32x512xf32, #tpu.memory_space<hbm>>
        %dma_wait3A_123 = tpu.memref_squeeze %dma_wait3A_122 : memref<1x32x512xf32, #tpu.memory_space<hbm>> -> memref<32x512xf32, #tpu.memory_space<hbm>>
        %dma_wait3A_124 = arith.constant 0 : i32
        %dma_wait3A_125 = tpu.memref_slice %arg4[%sub3A_117, %dma_wait3A_124, %mul3A_2] : memref<26x32x16384xf32, #tpu.memory_space<hbm>> -> memref<1x32x512xf32, #tpu.memory_space<hbm>>
        %dma_wait3A_126 = tpu.memref_squeeze %dma_wait3A_125 : memref<1x32x512xf32, #tpu.memory_space<hbm>> -> memref<32x512xf32, #tpu.memory_space<hbm>>
        %dma_wait3A_127 = arith.constant 0 : i32
        %dma_wait3A_128 = arith.constant 0 : i32
        %dma_wait3A_129 = tpu.memref_slice %arg8[%dma_wait3A_127, %dma_wait3A_128] : memref<32x513xf32, #tpu.memory_space<vmem>> -> memref<32x512xf32, #tpu.memory_space<vmem>>
        tpu.wait_dma2 semaphore(%arg12 : memref<!tpu.dma_semaphore, #tpu.memory_space<semaphore_mem>>) src(%dma_wait3A_129 : memref<32x512xf32, #tpu.memory_space<vmem>>) dst(%dma_wait3A_126 : memref<32x512xf32, #tpu.memory_space<hbm>>)
      } else {
      }
      %parallel_loop3A = arith.constant 0 : i32
      %parallel_loop3A_62 = arith.constant 512 : i32
      %parallel_loop3A_63 = arith.constant 1 : i32
      scf.for %parallel_loop3A_117 = %parallel_loop3A to %parallel_loop3A_62 step %parallel_loop3A_63  : i32 {
        %parallel_loop3A_118 = vector.broadcast %parallel_loop3A_117 : i32 to vector<16xi32>
        %parallel_loop3A_119 = arith.index_cast %parallel_loop3A_117 : i32 to index
        %parallel_loop3A_120 = arith.constant 0 : index
        %parallel_loop3A_121 = tpu.vector_load %arg6[%parallel_loop3A_119, %parallel_loop3A_120] {strides = array<i32>} : memref<512x32xf32, #tpu.memory_space<vmem>>, vector<16xf32>,
        %parallel_loop3A_122 = arith.index_cast %parallel_loop3A_117 : i32 to index
        %parallel_loop3A_123 = arith.constant 16 : index
        %parallel_loop3A_124 = tpu.vector_load %arg6[%parallel_loop3A_122, %parallel_loop3A_123] {strides = array<i32>} : memref<512x32xf32, #tpu.memory_space<vmem>>, vector<16xf32>,
        tpu.vector_store_idx %arg8[%iota3A, %parallel_loop3A_118], %parallel_loop3A_121 : memref<32x513xf32, #tpu.memory_space<vmem>>[vector<16xi32>, vector<16xi32>], vector<16xf32>,
        tpu.vector_store_idx %arg8[%add3A_5, %parallel_loop3A_118], %parallel_loop3A_124 : memref<32x513xf32, #tpu.memory_space<vmem>>[vector<16xi32>, vector<16xi32>], vector<16xf32>,
      } {sc.loop_unroll_factor = 4 : i64, sc.parallel_access}
      %dma_start3A_64 = arith.constant 0 : i32
      %dma_start3A_65 = arith.constant 0 : i32
      %dma_start3A_66 = tpu.memref_slice %arg8[%dma_start3A_64, %dma_start3A_65] : memref<32x513xf32, #tpu.memory_space<vmem>> -> memref<32x512xf32, #tpu.memory_space<vmem>>
      %dma_start3A_67 = arith.constant 0 : i32
      %dma_start3A_68 = tpu.memref_slice %arg4[%mul3A_44, %dma_start3A_67, %mul3A_2] : memref<26x32x16384xf32, #tpu.memory_space<hbm>> -> memref<1x32x512xf32, #tpu.memory_space<hbm>>
      %dma_start3A_69 = tpu.memref_squeeze %dma_start3A_68 : memref<1x32x512xf32, #tpu.memory_space<hbm>> -> memref<32x512xf32, #tpu.memory_space<hbm>>
      %dma_start3A_70 = arith.constant 0 : i32
      %dma_start3A_71 = tpu.memref_slice %arg4[%mul3A_44, %dma_start3A_70, %mul3A_2] : memref<26x32x16384xf32, #tpu.memory_space<hbm>> -> memref<1x32x512xf32, #tpu.memory_space<hbm>>
      %dma_start3A_72 = tpu.memref_squeeze %dma_start3A_71 : memref<1x32x512xf32, #tpu.memory_space<hbm>> -> memref<32x512xf32, #tpu.memory_space<hbm>>
      %dma_start3A_73 = arith.constant 0 : i32
      %dma_start3A_74 = arith.constant 0 : i32
      %dma_start3A_75 = tpu.memref_slice %arg8[%dma_start3A_73, %dma_start3A_74] : memref<32x513xf32, #tpu.memory_space<vmem>> -> memref<32x512xf32, #tpu.memory_space<vmem>>
      tpu.enqueue_dma source(%dma_start3A_75 : memref<32x512xf32, #tpu.memory_space<vmem>>) target(%dma_start3A_72 : memref<32x512xf32, #tpu.memory_space<hbm>>) target_semaphore(%arg12 : memref<!tpu.dma_semaphore, #tpu.memory_space<semaphore_mem>>)
      %mul3A_76 = arith.constant 2 : i32
      %mul3A_77 = arith.muli %mul3A_76, %scan3A_42 : i32
      %add3A_78 = arith.constant 1 : i32
      %add3A_79 = arith.addi %mul3A_77, %add3A_78 : i32
      %add3A_80 = arith.constant 1 : i32
      %add3A_81 = arith.addi %add3A_79, %add3A_80 : i32
      %min3A_82 = arith.constant 25 : i32
      %min3A_83 = arith.minsi %add3A_81, %min3A_82 : i32
      %add3A_84 = arith.constant 1 : i32
      %add3A_85 = arith.addi %add3A_79, %add3A_84 : i32
      %lt3A_86 = arith.constant 26 : i32
      %lt3A_87 = arith.cmpi slt, %add3A_85, %lt3A_86 : i32
      %convert_element_type3A_88 = arith.extui %lt3A_87 : i1 to i32
      %cond3A_89 = arith.constant 0 : i32
      %cond3A_90 = arith.cmpi ne, %convert_element_type3A_88, %cond3A_89 : i32
      scf.if %cond3A_90 {
        %dma_start3A_117 = arith.constant 0 : i32
        %dma_start3A_118 = tpu.memref_slice %arg5[%min3A_83, %dma_start3A_117] : memref<26x512xi32, #tpu.memory_space<vmem>> -> memref<1x512xi32, #tpu.memory_space<vmem>>
        %dma_start3A_119 = tpu.memref_squeeze %dma_start3A_118 : memref<1x512xi32, #tpu.memory_space<vmem>> -> memref<512xi32, #tpu.memory_space<vmem>>
        %dma_start3A_120 = arith.constant 0 : i32
        %dma_start3A_121 = arith.constant 0 : i32
        %dma_start3A_122 = tpu.memref_slice %arg2[%dma_start3A_120, %dma_start3A_121] : memref<1000000x32xf32, #tpu.memory_space<hbm>> -> memref<1000000x32xf32, #tpu.memory_space<hbm>>
        tpu.enqueue_indirect_dma source(%dma_start3A_122 : memref<1000000x32xf32, #tpu.memory_space<hbm>>) target(%arg6 : memref<512x32xf32, #tpu.memory_space<vmem>>) offsets(%dma_start3A_119 : memref<512xi32, #tpu.memory_space<vmem>>) semaphore(%arg10 : memref<!tpu.dma_semaphore, #tpu.memory_space<semaphore_mem>>)
      } else {
      }
      %dma_wait3A_91 = arith.constant 0 : i32
      %dma_wait3A_92 = tpu.memref_slice %arg5[%add3A_79, %dma_wait3A_91] : memref<26x512xi32, #tpu.memory_space<vmem>> -> memref<1x512xi32, #tpu.memory_space<vmem>>
      %dma_wait3A_93 = tpu.memref_squeeze %dma_wait3A_92 : memref<1x512xi32, #tpu.memory_space<vmem>> -> memref<512xi32, #tpu.memory_space<vmem>>
      %dma_wait3A_94 = arith.constant 0 : i32
      %dma_wait3A_95 = arith.constant 0 : i32
      %dma_wait3A_96 = tpu.memref_slice %arg2[%dma_wait3A_94, %dma_wait3A_95] : memref<1000000x32xf32, #tpu.memory_space<hbm>> -> memref<1000000x32xf32, #tpu.memory_space<hbm>>
      tpu.wait_indirect_dma semaphore(%arg11 : memref<!tpu.dma_semaphore, #tpu.memory_space<semaphore_mem>>) src(%dma_wait3A_96 : memref<1000000x32xf32, #tpu.memory_space<hbm>>) dst(%arg7 : memref<512x32xf32, #tpu.memory_space<vmem>>)
      %ge3A_97 = arith.constant 2 : i32
      %ge3A_98 = arith.cmpi sge, %add3A_79, %ge3A_97 : i32
      %convert_element_type3A_99 = arith.extui %ge3A_98 : i1 to i32
      %cond3A_100 = arith.constant 0 : i32
      %cond3A_101 = arith.cmpi ne, %convert_element_type3A_99, %cond3A_100 : i32
      scf.if %cond3A_101 {
        %sub3A = arith.constant 2 : i32
        %sub3A_117 = arith.subi %add3A_79, %sub3A : i32
        %dma_wait3A_118 = arith.constant 0 : i32
        %dma_wait3A_119 = arith.constant 0 : i32
        %dma_wait3A_120 = tpu.memref_slice %arg9[%dma_wait3A_118, %dma_wait3A_119] : memref<32x513xf32, #tpu.memory_space<vmem>> -> memref<32x512xf32, #tpu.memory_space<vmem>>
        %dma_wait3A_121 = arith.constant 0 : i32
        %dma_wait3A_122 = tpu.memref_slice %arg4[%sub3A_117, %dma_wait3A_121, %mul3A_2] : memref<26x32x16384xf32, #tpu.memory_space<hbm>> -> memref<1x32x512xf32, #tpu.memory_space<hbm>>
        %dma_wait3A_123 = tpu.memref_squeeze %dma_wait3A_122 : memref<1x32x512xf32, #tpu.memory_space<hbm>> -> memref<32x512xf32, #tpu.memory_space<hbm>>
        %dma_wait3A_124 = arith.constant 0 : i32
        %dma_wait3A_125 = tpu.memref_slice %arg4[%sub3A_117, %dma_wait3A_124, %mul3A_2] : memref<26x32x16384xf32, #tpu.memory_space<hbm>> -> memref<1x32x512xf32, #tpu.memory_space<hbm>>
        %dma_wait3A_126 = tpu.memref_squeeze %dma_wait3A_125 : memref<1x32x512xf32, #tpu.memory_space<hbm>> -> memref<32x512xf32, #tpu.memory_space<hbm>>
        %dma_wait3A_127 = arith.constant 0 : i32
        %dma_wait3A_128 = arith.constant 0 : i32
        %dma_wait3A_129 = tpu.memref_slice %arg9[%dma_wait3A_127, %dma_wait3A_128] : memref<32x513xf32, #tpu.memory_space<vmem>> -> memref<32x512xf32, #tpu.memory_space<vmem>>
        tpu.wait_dma2 semaphore(%arg13 : memref<!tpu.dma_semaphore, #tpu.memory_space<semaphore_mem>>) src(%dma_wait3A_129 : memref<32x512xf32, #tpu.memory_space<vmem>>) dst(%dma_wait3A_126 : memref<32x512xf32, #tpu.memory_space<hbm>>)
      } else {
      }
      %parallel_loop3A_102 = arith.constant 0 : i32
      %parallel_loop3A_103 = arith.constant 512 : i32
      %parallel_loop3A_104 = arith.constant 1 : i32
      scf.for %parallel_loop3A_117 = %parallel_loop3A_102 to %parallel_loop3A_103 step %parallel_loop3A_104  : i32 {
        %parallel_loop3A_118 = vector.broadcast %parallel_loop3A_117 : i32 to vector<16xi32>
        %parallel_loop3A_119 = arith.index_cast %parallel_loop3A_117 : i32 to index
        %parallel_loop3A_120 = arith.constant 0 : index
        %parallel_loop3A_121 = tpu.vector_load %arg7[%parallel_loop3A_119, %parallel_loop3A_120] {strides = array<i32>} : memref<512x32xf32, #tpu.memory_space<vmem>>, vector<16xf32>,
        %parallel_loop3A_122 = arith.index_cast %parallel_loop3A_117 : i32 to index
        %parallel_loop3A_123 = arith.constant 16 : index
        %parallel_loop3A_124 = tpu.vector_load %arg7[%parallel_loop3A_122, %parallel_loop3A_123] {strides = array<i32>} : memref<512x32xf32, #tpu.memory_space<vmem>>, vector<16xf32>,
        tpu.vector_store_idx %arg9[%iota3A, %parallel_loop3A_118], %parallel_loop3A_121 : memref<32x513xf32, #tpu.memory_space<vmem>>[vector<16xi32>, vector<16xi32>], vector<16xf32>,
        tpu.vector_store_idx %arg9[%add3A_5, %parallel_loop3A_118], %parallel_loop3A_124 : memref<32x513xf32, #tpu.memory_space<vmem>>[vector<16xi32>, vector<16xi32>], vector<16xf32>,
      } {sc.loop_unroll_factor = 4 : i64, sc.parallel_access}
      %dma_start3A_105 = arith.constant 0 : i32
      %dma_start3A_106 = arith.constant 0 : i32
      %dma_start3A_107 = tpu.memref_slice %arg9[%dma_start3A_105, %dma_start3A_106] : memref<32x513xf32, #tpu.memory_space<vmem>> -> memref<32x512xf32, #tpu.memory_space<vmem>>
      %dma_start3A_108 = arith.constant 0 : i32
      %dma_start3A_109 = tpu.memref_slice %arg4[%add3A_79, %dma_start3A_108, %mul3A_2] : memref<26x32x16384xf32, #tpu.memory_space<hbm>> -> memref<1x32x512xf32, #tpu.memory_space<hbm>>
      %dma_start3A_110 = tpu.memref_squeeze %dma_start3A_109 : memref<1x32x512xf32, #tpu.memory_space<hbm>> -> memref<32x512xf32, #tpu.memory_space<hbm>>
      %dma_start3A_111 = arith.constant 0 : i32
      %dma_start3A_112 = tpu.memref_slice %arg4[%add3A_79, %dma_start3A_111, %mul3A_2] : memref<26x32x16384xf32, #tpu.memory_space<hbm>> -> memref<1x32x512xf32, #tpu.memory_space<hbm>>
      %dma_start3A_113 = tpu.memref_squeeze %dma_start3A_112 : memref<1x32x512xf32, #tpu.memory_space<hbm>> -> memref<32x512xf32, #tpu.memory_space<hbm>>
      %dma_start3A_114 = arith.constant 0 : i32
      %dma_start3A_115 = arith.constant 0 : i32
      %dma_start3A_116 = tpu.memref_slice %arg9[%dma_start3A_114, %dma_start3A_115] : memref<32x513xf32, #tpu.memory_space<vmem>> -> memref<32x512xf32, #tpu.memory_space<vmem>>
      tpu.enqueue_dma source(%dma_start3A_116 : memref<32x512xf32, #tpu.memory_space<vmem>>) target(%dma_start3A_113 : memref<32x512xf32, #tpu.memory_space<hbm>>) target_semaphore(%arg13 : memref<!tpu.dma_semaphore, #tpu.memory_space<semaphore_mem>>)
    }
    %scan3A_16 = arith.constant 13 : i32
    %dma_wait3A = arith.constant 24 : i32
    %dma_wait3A_17 = arith.constant 0 : i32
    %dma_wait3A_18 = arith.constant 0 : i32
    %dma_wait3A_19 = tpu.memref_slice %arg8[%dma_wait3A_17, %dma_wait3A_18] : memref<32x513xf32, #tpu.memory_space<vmem>> -> memref<32x512xf32, #tpu.memory_space<vmem>>
    %dma_wait3A_20 = arith.constant 0 : i32
    %dma_wait3A_21 = tpu.memref_slice %arg4[%dma_wait3A, %dma_wait3A_20, %mul3A_2] : memref<26x32x16384xf32, #tpu.memory_space<hbm>> -> memref<1x32x512xf32, #tpu.memory_space<hbm>>
    %dma_wait3A_22 = tpu.memref_squeeze %dma_wait3A_21 : memref<1x32x512xf32, #tpu.memory_space<hbm>> -> memref<32x512xf32, #tpu.memory_space<hbm>>
    %dma_wait3A_23 = arith.constant 0 : i32
    %dma_wait3A_24 = tpu.memref_slice %arg4[%dma_wait3A, %dma_wait3A_23, %mul3A_2] : memref<26x32x16384xf32, #tpu.memory_space<hbm>> -> memref<1x32x512xf32, #tpu.memory_space<hbm>>
    %dma_wait3A_25 = tpu.memref_squeeze %dma_wait3A_24 : memref<1x32x512xf32, #tpu.memory_space<hbm>> -> memref<32x512xf32, #tpu.memory_space<hbm>>
    %dma_wait3A_26 = arith.constant 0 : i32
    %dma_wait3A_27 = arith.constant 0 : i32
    %dma_wait3A_28 = tpu.memref_slice %arg8[%dma_wait3A_26, %dma_wait3A_27] : memref<32x513xf32, #tpu.memory_space<vmem>> -> memref<32x512xf32, #tpu.memory_space<vmem>>
    tpu.wait_dma2 semaphore(%arg12 : memref<!tpu.dma_semaphore, #tpu.memory_space<semaphore_mem>>) src(%dma_wait3A_28 : memref<32x512xf32, #tpu.memory_space<vmem>>) dst(%dma_wait3A_25 : memref<32x512xf32, #tpu.memory_space<hbm>>)
    %dma_wait3A_29 = arith.constant 25 : i32
    %dma_wait3A_30 = arith.constant 0 : i32
    %dma_wait3A_31 = arith.constant 0 : i32
    %dma_wait3A_32 = tpu.memref_slice %arg9[%dma_wait3A_30, %dma_wait3A_31] : memref<32x513xf32, #tpu.memory_space<vmem>> -> memref<32x512xf32, #tpu.memory_space<vmem>>
    %dma_wait3A_33 = arith.constant 0 : i32
    %dma_wait3A_34 = tpu.memref_slice %arg4[%dma_wait3A_29, %dma_wait3A_33, %mul3A_2] : memref<26x32x16384xf32, #tpu.memory_space<hbm>> -> memref<1x32x512xf32, #tpu.memory_space<hbm>>
    %dma_wait3A_35 = tpu.memref_squeeze %dma_wait3A_34 : memref<1x32x512xf32, #tpu.memory_space<hbm>> -> memref<32x512xf32, #tpu.memory_space<hbm>>
    %dma_wait3A_36 = arith.constant 0 : i32
    %dma_wait3A_37 = tpu.memref_slice %arg4[%dma_wait3A_29, %dma_wait3A_36, %mul3A_2] : memref<26x32x16384xf32, #tpu.memory_space<hbm>> -> memref<1x32x512xf32, #tpu.memory_space<hbm>>
    %dma_wait3A_38 = tpu.memref_squeeze %dma_wait3A_37 : memref<1x32x512xf32, #tpu.memory_space<hbm>> -> memref<32x512xf32, #tpu.memory_space<hbm>>
    %dma_wait3A_39 = arith.constant 0 : i32
    %dma_wait3A_40 = arith.constant 0 : i32
    %dma_wait3A_41 = tpu.memref_slice %arg9[%dma_wait3A_39, %dma_wait3A_40] : memref<32x513xf32, #tpu.memory_space<vmem>> -> memref<32x512xf32, #tpu.memory_space<vmem>>
    tpu.wait_dma2 semaphore(%arg13 : memref<!tpu.dma_semaphore, #tpu.memory_space<semaphore_mem>>) src(%dma_wait3A_41 : memref<32x512xf32, #tpu.memory_space<vmem>>) dst(%dma_wait3A_38 : memref<32x512xf32, #tpu.memory_space<hbm>>)
    return
  }
}

</mosaic_0001>

<sc_bundles>
// kernel: kernel.3.cloned.1.call-start
scs
__scs_entry_jumppad:
0x0: {  	(pc) =	sbr.rel $0x88, $3  }
0x1: {  	(tag) =	ssettag $0x0;
	lr =	simm.s32 $0x1  }
0x2: {  	[smem:$0x3F9F] =	sst lr;
	_ =	strace $0xD0000000  }
0x3: {  	_ = 	snop  }
0x4: {  	_ = 	snop  }
0x5: {  	_ = 	snop  }
0x6: {  	_ = 	snop  }
0x7: {  	_ = 	snop  }
__scs_overlays_trampoline_lowered:
0x8: {  	[smem:$0x3FAE] =	sst s0  }
0x9: {  	[smem:$0x3FAF] =	sst s1  }
0xa: {  	[smem:$0x3FB0] =	sst s2  }
0xb: {  	[smem:$0x3FB1] =	sst s3  }
0xc: {  	[smem:$0x3FB2] =	sst s4  }
0xd: {  	[smem:$0x3FB3] =	sst s5  }
0xe: {  	[smem:$0x3FB4] =	sst s6  }
0xf: {  	[smem:$0x3FB5] =	sst s7  }
0x10: {  	[smem:$0x3FB6] =	sst s8  }
0x11: {  	[smem:$0x3FB7] =	sst s9;
	s0 =	simm.s32 @!p0 $0x0  }
0x12: {  	s1 =	sld [smem:$0x3F9D];
	s0 =	simm.s32 @p0 $0x1  }
0x13: {  	[smem:$0x3FB8] =	sst s0;
	s0 =	simm.s32 @!p1 $0x0  }
0x14: {  	s2 =	sld [smem:$0x3F9C];
	s0 =	simm.s32 @p1 $0x1  }
0x15: {  	[smem:$0x3FB9] =	sst s0;
	s0 =	simm.s32 @!p2 $0x0  }
0x16: {  	s3 =	sld [smem:$0x3FDB];
	s0 =	simm.s32 @p2 $0x1  }
0x17: {  	s4 =	simm.s32 $0x1BF5;
	[smem:$0x3FBB] =	sst s0  }
0x18: {  	s0 =	sld [smem:$0x3F9E];
	_ =	swait.ge [sflag:s4], $0x0  }
0x19: {  	s7 =	sld [smem:$0x3F9F]  }
0x1a: {  	s8 =	sadd.s32 $0xFFFFE003, lr  }
0x1b: {  	s9 =	sadd.s32 $0xFFFFFEF7, lr;
	s5 =	simm.s32 $0xFFFFFFFF;
	p2 =	slt.u32 s8, $0xFFFFF086  }
0x1c: {  	p1 =	slt.u32 s9, $0xF7A;
	s5 =	simm.s32 @!p2 $0x0  }
0x1d: {  	s5 =	simm.s32 @p1 $0x1;
	p0 =	seq.s32 s7, s2  }
0x1e: {  	s7 =	smul.u32 @!p0 $0xF7A, s2;
	p2 =	seq.s32 @!p0 s5, $0x0  }
0x1f: {  	s9 =	smul.u32 $0xF7A, s1;
	s8 =	simm.s32 @!p0 $0x1BF5;
	p2 =	por !p2, p0  }
0x20: {  	[sflag:s8] =	ssyncset.s32 @!p0 $0xFFFFF086;
	s6 =	sadd.s32 @!p0 s3, s7;
	s7 =	simm.s32 @!p0 $0x108  }
0x21: {  	s3 =	sadd.s32 s3, s9;
	s6 =	sadd.s32 @!p0 $0x88, s6;
	s7 =	simm.s32 @p2 $0x1082  }
0x22: {  	[simem:s7], [sflag:s8] =	dma.local @!p0 [hbm:s6], $0xF7A  }
0x23: {  	s9 =	sor.u32 $0xD0000000, s2;
	s6 =	simm.s32 $0x108;
	_ =	swait.ge @!p0 [sflag:s8], $0x0  }
0x24: {  	s3 =	sadd.s32 $0x88, s3;
	s6 =	simm.s32 @!p1 $0x1082;
	[sflag:s4] =	ssyncset.s32 $0xFFFFF086  }
0x25: {  	[simem:s6], [sflag:s4] =	dma.local [hbm:s3], $0xF7A  }
0x26: {  	[smem:$0x3F9F] =	sst s1;
	(tag) =	ssettag s2;
	_ =	strace s9  }
0x27: {  	s1 =	sld [smem:$0x3FAF]  }
0x28: {  	s2 =	sld [smem:$0x3FB0]  }
0x29: {  	s4 =	sld [smem:$0x3FB2]  }
0x2a: {  	p0 =	seq.s32 s5, $0x0;
	s5 =	sld [smem:$0x3FB3]  }
0x2b: {  	s6 =	sld [smem:$0x3FB4]  }
0x2c: {  	s7 =	sld [smem:$0x3FB5]  }
0x2d: {  	s3 =	simm.s32 $0x108;
	s8 =	sld [smem:$0x3FB6]  }
0x2e: {  	s3 =	simm.s32 @!p0 $0x1082;
	s9 =	sld [smem:$0x3FB7]  }
0x2f: {  	lr =	sadd.s32 s0, s3;
	s0 =	sld [smem:$0x3FAE]  }
0x30: {  	s3 =	sld [smem:$0x3FB1]  }
0x31: {  	[smem:$0x3FBA] =	sst s10  }
0x32: {  	s10 =	sld [smem:$0x3FB8];
	_ =	sdelay $0x3  }
0x33: {  	p0 =	seq.s32 s10, $0x1;
	s10 =	sld [smem:$0x3FBA];
	_ =	sdelay $0x3  }
0x34: {  	[smem:$0x3FBA] =	sst s10  }
0x35: {  	s10 =	sld [smem:$0x3FB9];
	_ =	sdelay $0x3  }
0x36: {  	p1 =	seq.s32 s10, $0x1;
	s10 =	sld [smem:$0x3FBA];
	_ =	sdelay $0x3  }
0x37: {  	[smem:$0x3FBA] =	sst s10  }
0x38: {  	s10 =	sld [smem:$0x3FBB]  }
0x39: {  	_ = 	snop;
	(pc) =	sbr.ind lr, $3  }
0x3a: {  	_ = 	snop  }
0x3b: {  	_ = 	snop  }
0x3c: {  	p2 =	seq.s32 s10, $0x1;
	s10 =	sld [smem:$0x3FBA]  }
0x3d: {  	_ =	shalt  }
0x3e: {  	_ =	shalt  }
0x3f: {  	_ =	shalt  }
0x40: {  	_ =	shalt  }
0x41: {  	_ =	shalt  }
0x42: {  	_ =	shalt  }
0x43: {  	_ =	shalt  }
0x44: {  	_ =	shalt  }
0x45: {  	_ =	shalt  }
0x46: {  	_ =	shalt  }
0x47: {  	_ =	shalt  }
0x48: {  	_ =	shalt  }
0x49: {  	_ =	shalt  }
0x4a: {  	_ =	shalt  }
0x4b: {  	_ =	shalt  }
0x4c: {  	_ =	shalt  }
0x4d: {  	_ =	shalt  }
0x4e: {  	_ =	shalt  }
0x4f: {  	_ =	shalt  }
0x50: {  	_ =	shalt  }
0x51: {  	_ =	shalt  }
0x52: {  	_ =	shalt  }
0x53: {  	_ =	shalt  }
0x54: {  	_ =	shalt  }
0x55: {  	_ =	shalt  }
0x56: {  	_ =	shalt  }
0x57: {  	_ =	shalt  }
0x58: {  	_ =	shalt  }
0x59: {  	_ =	shalt  }
0x5a: {  	_ =	shalt  }
0x5b: {  	_ =	shalt  }
0x5c: {  	_ =	shalt  }
0x5d: {  	_ =	shalt  }
0x5e: {  	_ =	shalt  }
0x5f: {  	_ =	shalt  }
0x60: {  	_ =	shalt  }
0x61: {  	_ =	shalt  }
0x62: {  	_ =	shalt  }
0x63: {  	_ =	shalt  }
0x64: {  	_ =	shalt  }
0x65: {  	_ =	shalt  }
0x66: {  	_ =	shalt  }
0x67: {  	_ =	shalt  }
0x68: {  	_ =	shalt  }
0x69: {  	_ =	shalt  }
0x6a: {  	_ =	shalt  }
0x6b: {  	_ =	shalt  }
0x6c: {  	_ =	shalt  }
0x6d: {  	_ =	shalt  }
0x6e: {  	_ =	shalt  }
0x6f: {  	_ =	shalt  }
0x70: {  	_ =	shalt  }
0x71: {  	_ =	shalt  }
0x72: {  	_ =	shalt  }
0x73: {  	_ =	shalt  }
0x74: {  	_ =	shalt  }
0x75: {  	_ =	shalt  }
0x76: {  	_ =	shalt  }
0x77: {  	_ =	shalt  }
0x78: {  	_ =	shalt  }
0x79: {  	_ =	shalt  }
0x7a: {  	_ =	shalt  }
0x7b: {  	_ =	shalt  }
0x7c: {  	_ =	shalt  }
0x7d: {  	_ =	shalt  }
0x7e: {  	_ =	shalt  }
0x7f: {  	_ =	shalt  }
0x80: {  	_ =	shalt  }
0x81: {  	_ =	shalt  }
0x82: {  	_ =	shalt  }
0x83: {  	_ =	shalt  }
0x84: {  	_ =	shalt  }
0x85: {  	_ =	shalt  }
0x86: {  	_ =	shalt  }
0x87: {  	_ =	shalt  }
.Lfunc_end0:
.L_simem_size_0:
called_computation_lowered:
.L_overlay_start_0:
0x88: {  	s2 =	sld [smem:$0x3FD9]  }
0x89: {  	s3 =	sld [smem:$0x3FFE];
	_ =	sdelay $0x1  }
0x8a: {  	s1 =	srdreg.scid  }
0x8b: {  	s0 =	sand.u32 $0x1, s1  }
0x8c: {  	s17 =	sshll.u32 s0, $0xA;
	s2 =	sadd.s32 s3, s2  }
0x8d: {  	s2 =	sadd.s32 s2, s17  }
0x8e: {  	[smem:$0x3FC6] =	sst s2  }
0x8f: {  	_ = 	snop  }
0x90: {  	s2 =	sld [smem:$0x3FD0];
	(tm) =	ssettm $0x1  }
0x91: {  	s18 =	sld [smem:$0x3FFB];
	_ =	sdelay $0x3  }
0x92: {  	_ =	strace s18  }
0x93: {  	s3 =	sld [smem:$0x3FFC];
	_ =	sdelay $0x3  }
0x94: {  	_ =	strace s3  }
0x95: {  	s3 =	sld [smem:$0x3FFD];
	_ =	sdelay $0x3  }
0x96: {  	_ =	strace s3  }
0x97: {  	_ =	strace $0x8FFFFFFF  }
0x98: {  	s19 =	sld [smem:$0x3FDB];
	_ =	sdelay $0x1  }
0x99: {  	s4 =	simm.s32 $_scs_section_size  }
0x9a: {  	s5 =	simm.s32 $_size__tile_overlayer_lowered;
	s6 =	simm.s32 $_tile_overlayer_lowered  }
0x9b: {  	s22 =	simm.s32 $0x1BFF;
	s21 =	sshll.u32 s6, $0x1;
	s3 =	sadd.s32 s4, s19  }
0x9c: {  	s7 =	simm.s32 $0x0;
	s20 =	sshll.u32 s5, $0x1;
	s5 =	sadd.s32 s21, s3  }
0x9d: {  	[timem:s7], [sflag:s22] =	dma.local [hbm:s5], s20  }
0x9e: {  	_ =	swait.ge [sflag:s22], s20  }
0x9f: {  	s4 =	ssub.s32 $0x0, s20;
	[sflag:s22] =	ssyncset.done $0x0  }
0xa0: {  	[sflag:s22] =	ssyncadd.s32 s4;
	_ =	sdelay $0x1  }
0xa1: {  	s23 =	simm.s32 $0x1B8B  }
0xa2: {  	_ =	swait.ge [sflag:s23], $0x1  }
0xa3: {  	[sflag:s23] =	ssyncset.done $0x0  }
0xa4: {  	s25 =	simm.s32 $0x1B8E;
	s24 =	sld [smem:$0x3FFE];
	[sflag:s23] =	ssyncadd.s32 $0xFFFFFFFF  }
0xa5: {  	s26 =	simm.s32 $execute0_lowered;
	[smem:$0x3FD2] =	sst s25  }
0xa6: {  	s5 =	sshll.u32 s26, $0x1;
	_ =	strace $0x80000046;
	[dreg:$0x1] =	wrdreg $0xFFFFFFFF  }
0xa7: {  	s28 =	simm.s32 $_size_execute0_lowered;
	s3 =	sadd.s32 s3, s5;
	[dreg:$0x0] =	wrdreg $0x0  }
0xa8: {  	s5 =	sshll.u32 s28, $0x1;
	[dreg:$0x2] =	wrdreg s3  }
0xa9: {  	[dreg:$0x3] =	wrdreg s5  }
0xaa: {  	[dreg:$0x4] =	wrdreg $0xC0  }
0xab: {  	_ =	task [dreg:s7], $0x5FFFF  }
0xac: {  	[dreg:$0x1] =	wrdreg $0xFFFFFFFF  }
0xad: {  	[dreg:$0x0] =	wrdreg $0x60  }
0xae: {  	[dreg:$0x2] =	wrdreg s24  }
0xaf: {  	[dreg:$0x3] =	wrdreg s2  }
0xb0: {  	[dreg:$0x4] =	wrdreg $0x9  }
0xb1: {  	_ =	task.clear_ibuf [dreg:s7], $0x5FFFF;
	_ =	strace $0x90000046  }
0xb2: {  	s29 =	simm.s32 $0x9;
	_ =	strace $0x80000048  }
0xb3: {  	_ =	swait.ge [sflag:s29], $0x1  }
0xb4: {  	[sflag:s29] =	ssyncadd.s32 $0xFFFFFFFF  }
0xb5: {  	_ =	strace $0x90000048  }
0xb6: {  	_ =	sfence  }
0xb7: {  	s30 =	sld [smem:$0x0];
	_ =	sdelay $0x2  }
0xb8: {  	s31 =	sshll.u32 s1, $0xD;
	s1 =	sshrl.u32 s1, $0x2  }
0xb9: {  	s3 =	sand.u32 $0x4000, s31;
	s1 =	sadd.s32 s1, s30  }
0xba: {  	s0 =	sor.u32 s3, s0;
	s1 =	sshll.u32 s1, $0x11  }
0xbb: {  	s0 =	sor.u32 s1, s0  }
0xbc: {  	s0 =	sadd.s32 $0x8F2B, s0  }
0xbd: {  	[sflag:s0] =	ssyncadd.remote.s32 $0x1  }
0xbe: {  	_ =	sfence.sel $0xFFFF  }
0xbf: {  	[dreg:$0x0] =	wrdreg $0xFFFFFFFF;
	(pc) =	sbr.abs _section_cstart, $3  }
0xc0: {  	[dreg:$0x1] =	wrdreg $0xFFFFFFFF  }
0xc1: {  	_ =	task.clear_ibuf [dreg:s7], $0x2FFFF;
	_ =	strace $0x9FFFFFFF  }
0xc2: {  	(tm) =	ssettm $0x7FFFFFFF  }
0xc3: {  	_ =	shalt  }
tec
execute0_lowered:
.L_overlay_start_1:
0x0: {  	(tag) =	ssettag $0x1  }
0x1: {  	s5 =	rddreg [dreg:$0x0]  }
0x2: {  	s6 =	rddreg [dreg:$0x1]  }
0x3: {  	s0 =	rddreg [dreg:$0x2];
	s2 =	simm.s32 $0x0;
	s3 =	srdreg.scid  }
0x4: {  	s1 =	stileid.u32;
	s9 =	simm.s32 $0x4000;
	s10 =	simm.s32 $0x5  }
0x5: {  	s11 =	simm.s32 $0x3400;
	s12 =	simm.s32 $0x7400;
	s13 =	simm.s32 $0x1  }
0x6: {  	s14 =	simm.s32 $0xB400;
	s15 =	simm.s32 $0x2;
	s16 =	simm.s32 $0x4  }
0x7: {  	s17 =	simm.s32 $0xF500;
	s18 =	simm.s32 $0x3;
	s19 =	simm.s32 $0x0  }
0x8: {  	[smem:$0x7FF] =	sst s2;
	s3 =	sand.u32 $0x1, s3;
	s4 =	sshll.u32 s1, $0xA  }
0x9: {  	v0 =	vlaneseq.u32;
	s7 =	ssub.s32 $0x2, s3;
	s3 =	sshll.u32 s3, $0x9;
	_ =	strace $0x80000047  }
0xa: {  	v0 =	vmul.u32 $0x208, v0;
	s8 =	sshrl.u32 s7, $0x1;
	s3 =	sor.u32 s3, s4;
	s4 =	sadd.s32 $0xF42A00, s5  }
0xb: {  	s5 =	sadd.s32 $0x600, s5;
	s7 =	ssub.s32 s7, s8;
	s31 =	sshrl.u32 s3, $0x3  }
0xc: {  	v1 =	vadd.s32 $0x2080, v0;
	s8 =	simm.s32 $0x200;
	s6 =	sadd.s32 s6, s31;
	s7 =	smax.u32 s7, $0x1  }
.LBB2_1:
0xd: {  	[tilespmem:s2], [sflag:$0x5] =	stream.strided.gather [hbm4b:s6+s8], $0x3400, s9, s8, $0x38;
	[tilespmem:$0x13600] =	vst v63  }
0xe: {  	_ =	swait.ge [sflag:s10], $0x3400  }
0xf: {  	[sflag:s10] =	ssyncset.done $0x0  }
0x10: {  	s20 =	simm.s32 $0x0;
	[sflag:s10] =	ssyncadd.s32 $0xFFFFCC00  }
0x11: {  	[tilespmem:s11], [sflag:$0x1] =	stream.indirect.gather [hbm4b:s4+s8], $0x20, s2, s8, $0xb8;
	[tilespmem:$0x13600] =	vst v63  }
.LBB2_2:
0x12: {  	s21 =	sshllo.u32 s20, $0x1  }
0x13: {  	s22 =	sshll.u32 s21, $0x9  }
0x14: {  	s22 =	sand.u32 $0x3FFFFE00, s22  }
0x15: {  	[tilespmem:s12], [sflag:$0x2] =	stream.indirect.gather [hbm4b:s4+s8], $0x20, s22, s8, $0xb8;
	[tilespmem:$0x13600] =	vst v63  }
0x16: {  	_ =	swait.ge [sflag:s13], $0x4000  }
0x17: {  	p0 =	seq.s32 s20, $0x0;
	[sflag:s13] =	ssyncset.done $0x0  }
0x18: {  	s22 =	simm.s32 @!p0 $0x3;
	[sflag:s13] =	ssyncadd.s32 $0xFFFFC000  }
0x19: {  	s23 =	simm.s32 $0x3;
	_ =	swait.ge @!p0 [sflag:s22], $0x4000  }
0x1a: {  	v2 =	vmov s23;
	[sflag:s22] =	ssyncset.done @!p0 $0x0  }
0x1b: {  	s29 =	simm.s32 $0x0;
	v2 =	vand.u32 $0x1FF, v2;
	[sflag:s22] =	ssyncadd.s32 @!p0 $0xFFFFC000;
	s22 =	simm.s32 $0x3440  }
0x1c: {  	v9 =	vadd.s32 v0, v2;
	v15 =	vadd.s32 v1, v2;
	v2 =	vmov s29;
	v6 =	vld [tilespmem:s22+$0x20]  }
0x1d: {  	s30 =	simm.s32 $0x1;
	v4 =	vand.u32 $0x1FC, v2;
	v14 =	vld [tilespmem:s22+$0x30]  }
0x1e: {  	v3 =	vmov s30;
	v11 =	vadd.s32 v0, v4;
	v7 =	vld [tilespmem:s22+$0xFFFFFFC0]  }
0x1f: {  	s31 =	simm.s32 $0x2;
	v10 =	vand.u32 $0x1FD, v3;
	v8 =	vadd.s32 v1, v4;
	v2 =	vld [tilespmem:s22+$0xFFFFFFD0]  }
0x20: {  	v12 =	vmov s31;
	v5 =	vadd.s32 v0, v10;
	v3 =	vld [tilespmem:s22+$0xFFFFFFE0]  }
0x21: {  	s24 =	simm.s32 $0x7;
	v12 =	vand.u32 $0x1FE, v12;
	v4 =	vld [tilespmem:s22+$0xFFFFFFF0];
	[tilespmem:v9+s14+$0x0] =	vst.idx.msk $0xffff, v6;
	v9 =	vadd.s32 v1, v10  }
0x22: {  	s23 =	simm.s32 $0x4;
	v13 =	vmov s24;
	s24 =	simm.s32 $0x8;
	v6 =	vld [tilespmem:s22+$0x0];
	v10 =	vadd.s32 v0, v12;
	[tilespmem:v15+s14+$0x0] =	vst.idx.msk $0xffff, v14  }
.LBB2_3:
0x23: {  	p1 =	slt.u32 s24, $0x1FC;
	v13 =	vand.u32 $0x1FF, v13;
	[tilespmem:v11+s14+$0x0] =	vst.idx.msk $0xffff, v7;
	v14 =	vld [tilespmem:s22+$0x10];
	v12 =	vadd.s32 v1, v12;
	s22 =	sadd.s32 $0x80, s22  }
0x24: {  	v7 =	vmov s23;
	v15 =	vld [tilespmem:s22+$0x20];
	v16 =	vadd.s32 v0, v13;
	[tilespmem:v8+s14+$0x0] =	vst.idx.msk $0xffff, v2  }
0x25: {  	s25 =	sadd.s32 $0x1, s23;
	v8 =	vand.u32 $0x1FC, v7;
	v18 =	vadd.s32 v1, v13;
	v17 =	vld [tilespmem:s22+$0x30];
	[tilespmem:v5+s14+$0x0] =	vst.idx.msk $0xffff, v3  }
.Ltmp0:
0x26: {  	v11 =	vadd.s32 v0, v8;
	v3 =	vmov s25;
	v7 =	vld [tilespmem:s22+$0xFFFFFFC0];
	[tilespmem:v9+s14+$0x0] =	vst.idx.msk $0xffff, v4;
	(pc) =	sbr.rel @p1 .LBB2_3-.Ltmp0, $4  }
0x27: {  	v8 =	vadd.s32 v1, v8;
	s25 =	sadd.s32 $0x2, s23;
	s23 =	smov.u32 s24;
	v9 =	vand.u32 $0x1FD, v3;
	v2 =	vld [tilespmem:s22+$0xFFFFFFD0];
	[tilespmem:v10+s14+$0x0] =	vst.idx.msk $0xffff, v6  }
0x28: {  	v5 =	vadd.s32 v0, v9;
	v6 =	vmov s25;
	v3 =	vld [tilespmem:s22+$0xFFFFFFE0];
	[tilespmem:v12+s14+$0x0] =	vst.idx.msk $0xffff, v14  }
0x29: {  	s25 =	sadd.s32 $0x3, s24;
	v9 =	vadd.s32 v1, v9;
	v12 =	vand.u32 $0x1FE, v6;
	v4 =	vld [tilespmem:s22+$0xFFFFFFF0];
	[tilespmem:v16+s14+$0x0] =	vst.idx.msk $0xffff, v15  }
0x2a: {  	s24 =	sadd.s32 $0x4, s24;
	v13 =	vmov s25;
	v10 =	vadd.s32 v0, v12;
	v6 =	vld [tilespmem:s22+$0x0];
	[tilespmem:v18+s14+$0x0] =	vst.idx.msk $0xffff, v17  }
0x2b: {  	_ =	sdelay $0x3  }
0x2c: {  	v13 =	vand.u32 $0x1FF, v13;
	[tilespmem:v11+s14+$0x0] =	vst.idx.msk $0xffff, v7;
	v47 =	vld [tilespmem:s22+$0x10];
	v48 =	vadd.s32 v1, v12;
	s29 =	sadd.s32 $0x80, s22  }
0x2d: {  	v49 =	vmov s23;
	v14 =	vld [tilespmem:s29+$0x20];
	v15 =	vadd.s32 v0, v13;
	[tilespmem:v8+s14+$0x0] =	vst.idx.msk $0xffff, v2  }
0x2e: {  	s24 =	sadd.s32 $0x1, s23;
	v2 =	vand.u32 $0x1FC, v49;
	v50 =	vld [tilespmem:s29+$0x30];
	v51 =	vadd.s32 v1, v13;
	[tilespmem:v5+s14+$0x0] =	vst.idx.msk $0xffff, v3  }
0x2f: {  	s30 =	sadd.s32 $0x2, s23;
	v53 =	vmov s24;
	v3 =	vld [tilespmem:s29+$0xFFFFFFC0];
	v52 =	vadd.s32 v0, v2;
	[tilespmem:v9+s14+$0x0] =	vst.idx.msk $0xffff, v4  }
0x30: {  	v54 =	vld [tilespmem:s29+$0xFFFFFFD0];
	v58 =	vmov s30;
	v2 =	vadd.s32 v1, v2;
	v55 =	vand.u32 $0x1FD, v53;
	[tilespmem:v10+s14+$0x0] =	vst.idx.msk $0xffff, v6  }
0x31: {  	v56 =	vld [tilespmem:s29+$0xFFFFFFE0];
	v60 =	vand.u32 $0x1FE, v58;
	v57 =	vadd.s32 v0, v55;
	[tilespmem:v48+s14+$0x0] =	vst.idx.msk $0xffff, v47  }
0x32: {  	v61 =	vld [tilespmem:s29+$0x0];
	v62 =	vadd.s32 v0, v60;
	[tilespmem:v15+s14+$0x0] =	vst.idx.msk $0xffff, v14  }
0x33: {  	v59 =	vld [tilespmem:s29+$0xFFFFFFF0];
	v9 =	vadd.s32 v1, v55;
	[tilespmem:v51+s14+$0x0] =	vst.idx.msk $0xffff, v50  }
0x34: {  	v63 =	vadd.s32 v1, v60;
	[tilespmem:v52+s14+$0x0] =	vst.idx.msk $0xffff, v3;
	v3 =	vld [tilespmem:s29+$0x10]  }
0x35: {  	s31 =	sshll.u32 s20, $0x14;
	[tilespmem:v2+s14+$0x0] =	vst.idx.msk $0xffff, v54  }
0x36: {  	s22 =	sor.u32 s3, s31;
	[tilespmem:v57+s14+$0x0] =	vst.idx.msk $0xffff, v56  }
0x37: {  	s22 =	sshrl.u32 s22, $0x3;
	[tilespmem:v62+s14+$0x0] =	vst.idx.msk $0xffff, v61  }
0x38: {  	s23 =	simm.s32 $0xB400;
	s22 =	sadd.s32 s5, s22;
	[tilespmem:v9+s14+$0x0] =	vst.idx.msk $0xffff, v59  }
0x39: {  	s25 =	simm.s32 $0xB608;
	s24 =	simm.s32 $0x800;
	s26 =	sadd.s32 $0x0, s22;
	[tilespmem:v63+s14+$0x0] =	vst.idx.msk $0xffff, v3  }
.LBB2_5:
0x3a: {  	[hbm4b:s26+s2] =	stream.linear.scatter [tilespmem:s23], [sflag:$0x3], $0x200, $0x38;
	[tilespmem:$0x13600] =	vst v63  }
0x3b: {  	s26 =	smov.u32 s24;
	s23 =	smov.u32 s25;
	p1 =	sne.s32 s24, $0xF800  }
.Ltmp1:
0x3c: {  	s24 =	sadd.s32 $0x800, s24;
	(pc) =	sbr.rel @p1 .LBB2_5-.Ltmp1, $2  }
0x3d: {  	_ =	sdelay $0x2  }
0x3e: {  	s25 =	sadd.s32 $0x208, s25;
	s26 =	sadd.s32 s26, s22  }
0x3f: {  	p1 =	sne.s32 s20, $0xC  }
.Ltmp2:
0x40: {  	_ = 	snop;
	(pc) =	sbr.rel @p1 .LBB2_8-.Ltmp2, $2  }
0x41: {  	_ =	sdelay $0x2  }
0x42: {  	[hbm4b:s26+s2] =	stream.linear.scatter [tilespmem:s23], [sflag:$0x3], $0x200, $0x38;
	[tilespmem:$0x13600] =	vst v63  }
.Ltmp3:
0x43: {  	(pc) =	sbr.rel .LBB2_9-.Ltmp3, $4  }
0x44: {  	_ = 	snop  }
0x45: {  	_ =	swait.ge [sflag:s15], $0x4000  }
0x46: {  	[sflag:s15] =	ssyncset.done $0x0  }
0x47: {  	[sflag:s15] =	ssyncadd.s32 $0xFFFFC000  }
.LBB2_8:
0x48: {  	s22 =	sshll.u32 s20, $0xA  }
0x49: {  	s22 =	sand.u32 $0x3FFFFC00, s22  }
.Ltmp4:
0x4a: {  	s22 =	sadd.s32 $0x400, s22;
	(pc) =	sbr.rel @p0 .LBB2_10-.Ltmp4, $4  }
0x4b: {  	[tilespmem:s11], [sflag:$0x1] =	stream.indirect.gather [hbm4b:s4+s8], $0x20, s22, s8, $0xb8;
	[tilespmem:$0x13600] =	vst v63  }
0x4c: {  	_ =	swait.ge [sflag:s15], $0x4000  }
0x4d: {  	[sflag:s15] =	ssyncset.done $0x0  }
0x4e: {  	[sflag:s15] =	ssyncadd.s32 $0xFFFFC000  }
.LBB2_9:
0x4f: {  	_ =	swait.ge [sflag:s16], $0x4000  }
0x50: {  	[sflag:s16] =	ssyncset.done $0x0  }
0x51: {  	[sflag:s16] =	ssyncadd.s32 $0xFFFFC000  }
.LBB2_10:
0x52: {  	s22 =	simm.s32 $0x3  }
0x53: {  	v2 =	vmov s22  }
0x54: {  	s23 =	simm.s32 $0x0;
	s22 =	simm.s32 $0x7440;
	v2 =	vand.u32 $0x1FF, v2  }
0x55: {  	v6 =	vld [tilespmem:s22+$0x20];
	v9 =	vadd.s32 v0, v2;
	v15 =	vadd.s32 v1, v2;
	v2 =	vmov s23  }
0x56: {  	s30 =	simm.s32 $0x1;
	v14 =	vld [tilespmem:s22+$0x30];
	v4 =	vand.u32 $0x1FC, v2  }
0x57: {  	v3 =	vmov s30;
	v7 =	vld [tilespmem:s22+$0xFFFFFFC0];
	v11 =	vadd.s32 v0, v4  }
0x58: {  	s31 =	simm.s32 $0x2;
	v10 =	vand.u32 $0x1FD, v3;
	v2 =	vld [tilespmem:s22+$0xFFFFFFD0];
	v8 =	vadd.s32 v1, v4  }
0x59: {  	v12 =	vmov s31;
	v3 =	vld [tilespmem:s22+$0xFFFFFFE0];
	v5 =	vadd.s32 v0, v10  }
0x5a: {  	s24 =	simm.s32 $0x7;
	v12 =	vand.u32 $0x1FE, v12;
	v4 =	vld [tilespmem:s22+$0xFFFFFFF0];
	[tilespmem:v9+s17+$0x0] =	vst.idx.msk $0xffff, v6;
	v9 =	vadd.s32 v1, v10  }
0x5b: {  	v13 =	vmov s24;
	s24 =	simm.s32 $0x8;
	s23 =	simm.s32 $0x4;
	v6 =	vld [tilespmem:s22+$0x0];
	v10 =	vadd.s32 v0, v12;
	[tilespmem:v15+s17+$0x0] =	vst.idx.msk $0xffff, v14  }
.LBB2_11:
0x5c: {  	p0 =	slt.u32 s24, $0x1FC;
	v13 =	vand.u32 $0x1FF, v13;
	[tilespmem:v11+s17+$0x0] =	vst.idx.msk $0xffff, v7;
	v14 =	vld [tilespmem:s22+$0x10];
	v12 =	vadd.s32 v1, v12;
	s22 =	sadd.s32 $0x80, s22  }
0x5d: {  	v7 =	vmov s23;
	v15 =	vld [tilespmem:s22+$0x20];
	v16 =	vadd.s32 v0, v13;
	[tilespmem:v8+s17+$0x0] =	vst.idx.msk $0xffff, v2  }
0x5e: {  	s25 =	sadd.s32 $0x1, s23;
	v8 =	vand.u32 $0x1FC, v7;
	v18 =	vadd.s32 v1, v13;
	v17 =	vld [tilespmem:s22+$0x30];
	[tilespmem:v5+s17+$0x0] =	vst.idx.msk $0xffff, v3  }
.Ltmp5:
0x5f: {  	v11 =	vadd.s32 v0, v8;
	v3 =	vmov s25;
	v7 =	vld [tilespmem:s22+$0xFFFFFFC0];
	[tilespmem:v9+s17+$0x0] =	vst.idx.msk $0xffff, v4;
	(pc) =	sbr.rel @p0 .LBB2_11-.Ltmp5, $4  }
0x60: {  	v8 =	vadd.s32 v1, v8;
	s25 =	sadd.s32 $0x2, s23;
	s23 =	smov.u32 s24;
	v9 =	vand.u32 $0x1FD, v3;
	v2 =	vld [tilespmem:s22+$0xFFFFFFD0];
	[tilespmem:v10+s17+$0x0] =	vst.idx.msk $0xffff, v6  }
0x61: {  	v5 =	vadd.s32 v0, v9;
	v6 =	vmov s25;
	v3 =	vld [tilespmem:s22+$0xFFFFFFE0];
	[tilespmem:v12+s17+$0x0] =	vst.idx.msk $0xffff, v14  }
0x62: {  	s25 =	sadd.s32 $0x3, s24;
	v9 =	vadd.s32 v1, v9;
	v12 =	vand.u32 $0x1FE, v6;
	v4 =	vld [tilespmem:s22+$0xFFFFFFF0];
	[tilespmem:v16+s17+$0x0] =	vst.idx.msk $0xffff, v15  }
0x63: {  	s24 =	sadd.s32 $0x4, s24;
	v13 =	vmov s25;
	v10 =	vadd.s32 v0, v12;
	v6 =	vld [tilespmem:s22+$0x0];
	[tilespmem:v18+s17+$0x0] =	vst.idx.msk $0xffff, v17  }
0x64: {  	_ =	sdelay $0x3  }
0x65: {  	v13 =	vand.u32 $0x1FF, v13;
	[tilespmem:v11+s17+$0x0] =	vst.idx.msk $0xffff, v7;
	v47 =	vld [tilespmem:s22+$0x10];
	v48 =	vadd.s32 v1, v12;
	s30 =	sadd.s32 $0x80, s22  }
0x66: {  	v49 =	vmov s23;
	v14 =	vld [tilespmem:s30+$0x20];
	v15 =	vadd.s32 v0, v13;
	[tilespmem:v8+s17+$0x0] =	vst.idx.msk $0xffff, v2  }
0x67: {  	s24 =	sadd.s32 $0x1, s23;
	v2 =	vand.u32 $0x1FC, v49;
	v50 =	vld [tilespmem:s30+$0x30];
	v51 =	vadd.s32 v1, v13;
	[tilespmem:v5+s17+$0x0] =	vst.idx.msk $0xffff, v3  }
0x68: {  	s31 =	sadd.s32 $0x2, s23;
	v53 =	vmov s24;
	v3 =	vld [tilespmem:s30+$0xFFFFFFC0];
	v52 =	vadd.s32 v0, v2;
	[tilespmem:v9+s17+$0x0] =	vst.idx.msk $0xffff, v4  }
0x69: {  	v54 =	vld [tilespmem:s30+$0xFFFFFFD0];
	v58 =	vmov s31;
	v2 =	vadd.s32 v1, v2;
	v55 =	vand.u32 $0x1FD, v53;
	[tilespmem:v10+s17+$0x0] =	vst.idx.msk $0xffff, v6  }
0x6a: {  	v56 =	vld [tilespmem:s30+$0xFFFFFFE0];
	v60 =	vand.u32 $0x1FE, v58;
	v57 =	vadd.s32 v0, v55;
	[tilespmem:v48+s17+$0x0] =	vst.idx.msk $0xffff, v47  }
0x6b: {  	v61 =	vld [tilespmem:s30+$0x0];
	v62 =	vadd.s32 v0, v60;
	[tilespmem:v15+s17+$0x0] =	vst.idx.msk $0xffff, v14  }
0x6c: {  	v59 =	vld [tilespmem:s30+$0xFFFFFFF0];
	v9 =	vadd.s32 v1, v55;
	[tilespmem:v51+s17+$0x0] =	vst.idx.msk $0xffff, v50  }
0x6d: {  	v63 =	vadd.s32 v1, v60;
	[tilespmem:v52+s17+$0x0] =	vst.idx.msk $0xffff, v3;
	v3 =	vld [tilespmem:s30+$0x10]  }
0x6e: {  	s21 =	sshll.u32 s21, $0x13;
	[tilespmem:v2+s17+$0x0] =	vst.idx.msk $0xffff, v54  }
0x6f: {  	s21 =	sor.u32 s3, s21;
	[tilespmem:v57+s17+$0x0] =	vst.idx.msk $0xffff, v56  }
0x70: {  	s21 =	sshrl.u32 s21, $0x3;
	[tilespmem:v62+s17+$0x0] =	vst.idx.msk $0xffff, v61  }
0x71: {  	s22 =	simm.s32 $0xF500;
	s21 =	sadd.s32 s5, s21;
	[tilespmem:v9+s17+$0x0] =	vst.idx.msk $0xffff, v59  }
0x72: {  	s23 =	simm.s32 $0x800;
	s24 =	simm.s32 $0xF708;
	s25 =	sadd.s32 $0x0, s21;
	[tilespmem:v63+s17+$0x0] =	vst.idx.msk $0xffff, v3  }
.LBB2_13:
0x73: {  	[hbm4b:s25+s2] =	stream.linear.scatter [tilespmem:s22], [sflag:$0x4], $0x200, $0x38;
	[tilespmem:$0x13600] =	vst v63  }
0x74: {  	s25 =	smov.u32 s23;
	s22 =	smov.u32 s24;
	p0 =	sne.s32 s23, $0xF800  }
.Ltmp6:
0x75: {  	s23 =	sadd.s32 $0x800, s23;
	(pc) =	sbr.rel @p0 .LBB2_13-.Ltmp6, $2  }
0x76: {  	_ =	sdelay $0x2  }
0x77: {  	s24 =	sadd.s32 $0x208, s24;
	s25 =	sadd.s32 s25, s21  }
0x78: {  	s20 =	sadd.s32 $0x1, s20  }
0x79: {  	p0 =	sne.s32 s20, $0xD  }
.Ltmp7:
0x7a: {  	_ = 	snop;
	(pc) =	sbr.rel @p0 .LBB2_2-.Ltmp7, $2  }
0x7b: {  	_ =	sdelay $0x2  }
0x7c: {  	[hbm4b:s25+s2] =	stream.linear.scatter [tilespmem:s22], [sflag:$0x4], $0x200, $0x38;
	[tilespmem:$0x13600] =	vst v63  }
0x7d: {  	s19 =	sadd.s32 $0x1, s19  }
0x7e: {  	_ =	swait.ge [sflag:s18], $0x4000;
	p0 =	sne.s32 s19, s7  }
.Ltmp8:
0x7f: {  	[sflag:s18] =	ssyncset.done $0x0;
	(pc) =	sbr.rel @p0 .LBB2_1-.Ltmp8, $4  }
0x80: {  	[sflag:s18] =	ssyncadd.s32 $0xFFFFC000  }
0x81: {  	_ =	swait.ge [sflag:s16], $0x4000  }
0x82: {  	[sflag:s16] =	ssyncset.done $0x0  }
0x83: {  	[sflag:s16] =	ssyncadd.s32 $0xFFFFC000  }
0x84: {  	_ =	sfence.sel $0x180000  }
0x85: {  	[bflag:$0x0] =	sbarrier.arrive $0xFFFF  }
0x86: {  	p0 =	sne.s32 s1, $0x0;
	_ =	strace $0x90000047  }
0x87: {  	s0 =	sadd.s32 @!p0 $0x100000, s0;
	[bflag:$0x2] =	sbarrier.arrive $0xFFFF  }
0x88: {  	[sflag:s0] =	ssyncadd.tile.s32 @!p0 $0x1;
	_ =	shalt  }
.Lfunc_end2:
_tile_overlayer_lowered:
.L_overlay_start_2:
0x89: {  	(tag) =	ssettag $0x2  }
0x8a: {  	s0 =	rddreg [dreg:$0x0];
	s2 =	stileid.u32  }
0x8b: {  	s1 =	rddreg [dreg:$0x1];
	p0 =	sne.s32 s2, $0x0  }
0x8c: {  	s3 =	rddreg [dreg:$0x2];
	[bflag:$0x3] =	sbarrier.arrive $0xFFFF;
	s2 =	simm.s32 @!p0 $0x1C05  }
0x8d: {  	[timem:s3], [sflag:s2] =	dma.local @!p0 [hbm:s0], s1  }
0x8e: {  	s0 =	simm.s32 @!p0 $0x5  }
0x8f: {  	_ =	swait.ge @!p0 [sflag:s0], s1  }
0x90: {  	s1 =	ssub.s32 @!p0 $0x0, s1;
	[sflag:s0] =	ssyncset.done @!p0 $0x0  }
0x91: {  	[sflag:s0] =	ssyncadd.s32 @!p0 s1  }
0x92: {  	[bflag:$0x3] =	sbarrier.arrive $0xFFFF  }
0x93: {  	_ =	shalt  }

</sc_bundles>
